<compile_context>
chip_gen: v7x
topology: tpu7x:2x2x1
jax: 0.10.2.dev20260603
libtpu: 0.0.44.dev20260713+nightly
codegen_flags: <defaults>
</compile_context>

<pallas_src>
import functools

import jax
import jax.numpy as jnp
from jax import lax
from jax.experimental import pallas as pl
from jax.experimental.pallas import tpu as pltpu
from jax.experimental.pallas import tpu_sc as plsc

_EPS = 1e-5

_C = 128
_NW = 32
_NSUB = 16


def _support_body(y_ref, w_ref, out_ref):
    out_ref[...] = jnp.dot(y_ref[...], w_ref[...],
                           preferred_element_type=jnp.float32)


def _support_matmul(y, w):
    n, h_in = y.shape
    h_out = w.shape[1]
    bm = 2000
    return pl.pallas_call(
        _support_body,
        grid=(n // bm,),
        in_specs=[pl.BlockSpec((bm, h_in), lambda i: (i, 0)),
                  pl.BlockSpec((h_in, h_out), lambda i: (0, 0))],
        out_specs=pl.BlockSpec((bm, h_out), lambda i: (i, 0)),
        out_shape=jax.ShapeDtypeStruct((n, h_out), jnp.float32),
    )(y, w)


def _spmm_sc(support, src, dst, zeros):
    n, h = support.shape
    e = src.shape[0]
    nchunks = e // _C
    nloop = (nchunks + _NW - 1) // _NW
    rps = (n // _NSUB) // 8 * 8
    rps_last = n - (_NSUB - 1) * rps
    mesh = plsc.VectorSubcoreMesh(core_axis_name="c", subcore_axis_name="s")

    @functools.partial(
        pl.kernel, mesh=mesh,
        out_type=jax.ShapeDtypeStruct((2, n, h), jnp.float32),
        scratch_types=[
            pltpu.VMEM((_C,), jnp.int32),
            pltpu.VMEM((_C,), jnp.int32),
            pltpu.VMEM((_C, h), jnp.float32),
            pltpu.VMEM_SHARED((n, h), jnp.float32),
            pltpu.SemaphoreType.DMA,
        ],
    )
    def spmm(support_hbm, src_hbm, dst_hbm, zeros_hbm, out_hbm,
             src_v, dst_v, rows_v, acc_sh, sem):
        cid = lax.axis_index("c")
        sid = lax.axis_index("s")
        wid = sid * 2 + cid
        @pl.when(sid < _NSUB - 1)
        def _():
            pltpu.sync_copy(zeros_hbm.at[pl.ds(sid * rps, rps)],
                            acc_sh.at[pl.ds(sid * rps, rps)])

        @pl.when(sid == _NSUB - 1)
        def _():
            pltpu.sync_copy(zeros_hbm.at[pl.ds((_NSUB - 1) * rps, rps_last)],
                            acc_sh.at[pl.ds((_NSUB - 1) * rps, rps_last)])

        plsc.subcore_barrier()

        @pl.loop(0, nloop)
        def _(i):
            g = wid + i * _NW

            @pl.when(g < nchunks)
            def _():
                base = g * _C
                pltpu.sync_copy(src_hbm.at[pl.ds(base, _C)], src_v)
                pltpu.sync_copy(dst_hbm.at[pl.ds(base, _C)], dst_v)
                pltpu.async_copy(support_hbm.at[src_v], rows_v, sem).wait()
                pltpu.sync_copy(rows_v, acc_sh.at[dst_v], add=True)

        plsc.subcore_barrier()

        @pl.when(sid < _NSUB - 1)
        def _():
            pltpu.sync_copy(acc_sh.at[pl.ds(sid * rps, rps)],
                            out_hbm.at[cid].at[pl.ds(sid * rps, rps)])

        @pl.when(sid == _NSUB - 1)
        def _():
            pltpu.sync_copy(
                acc_sh.at[pl.ds((_NSUB - 1) * rps, rps_last)],
                out_hbm.at[cid].at[pl.ds((_NSUB - 1) * rps, rps_last)])

    return spmm(support, src, dst, zeros)


def _bn_body(p_ref, g_ref, b_ref, hn_ref):
    h = jnp.maximum(p_ref[0] + p_ref[1], 0.0)
    mean = jnp.mean(h, axis=0, keepdims=True)
    var = jnp.mean(h * h, axis=0, keepdims=True) - mean * mean
    inv = lax.rsqrt(var + _EPS)
    hn_ref[...] = (h - mean) * (inv * g_ref[...]) + b_ref[...]


def _bn(parts, gamma, beta):
    _, n, h = parts.shape
    return pl.pallas_call(
        _bn_body,
        in_specs=[pl.BlockSpec((2, n, h), lambda: (0, 0, 0)),
                  pl.BlockSpec((1, h), lambda: (0, 0)),
                  pl.BlockSpec((1, h), lambda: (0, 0))],
        out_specs=pl.BlockSpec((n, h), lambda: (0, 0)),
        out_shape=jax.ShapeDtypeStruct((n, h), jnp.float32),
    )(parts, gamma, beta)


def _gram_body(a_ref, b_ref, out_ref):
    out_ref[...] = lax.dot_general(
        a_ref[...], b_ref[...], (((1,), (1,)), ((), ())),
        preferred_element_type=jnp.float32)


def _gram(hn):
    n, h = hn.shape
    bm = 2048
    g = pl.cdiv(n, bm)
    return pl.pallas_call(
        _gram_body,
        grid=(g, g),
        in_specs=[pl.BlockSpec((bm, h), lambda i, j: (i, 0)),
                  pl.BlockSpec((bm, h), lambda i, j: (j, 0))],
        out_specs=pl.BlockSpec((bm, bm), lambda i, j: (i, j)),
        out_shape=jax.ShapeDtypeStruct((n, n), jnp.float32),
    )(hn, hn)


def kernel(y_features, edge_index, W1, gamma, beta):
    n, h = y_features.shape
    support = _support_matmul(y_features, W1)
    zeros = jnp.zeros((n, W1.shape[1]), jnp.float32)
    parts = _spmm_sc(support, edge_index[0], edge_index[1], zeros)
    hn = _bn(parts, gamma.reshape(1, h), beta.reshape(1, h))
    return _gram(hn)

# --- scband reference (transcript-rebuilt; emitter-appended) ---
"""Pipeline reference for scband-gcnmodel-scat-structure-only-vae-481036337854 (READ-ONLY COPY).

The authoritative reference and input builder live on the scoring server;
editing this copy changes nothing except your own understanding.
"""

import jax, jax.numpy as jnp
import numpy as np

N = 10000
E = 320000
H2 = 128  # hidden_dim2 (latent input dim)
H1 = 128  # hidden_dim1 (decoder hidden dim)
EPS = 1e-5


def setup_inputs(seed: int = 0) -> dict:
    key = jax.random.key(seed)
    k1, k2, k3 = jax.random.split(key, 3)
    y_features = jax.random.normal(k1, (N, H2), dtype=jnp.float32)
    # adjacency as COO edge_index; int32 used (int64 requires jax x64 mode)
    edge_index = jax.random.randint(k2, (2, E), 0, N, dtype=jnp.int32)
    # GraphConvolution weight (glorot init, kipf GAE-style, no bias)
    limit = float(np.sqrt(6.0 / (H2 + H1)))
    W1 = jax.random.uniform(k3, (H2, H1), dtype=jnp.float32, minval=-limit, maxval=limit)
    # BatchNorm1d affine params
    gamma = jnp.ones((H1,), dtype=jnp.float32)
    beta = jnp.zeros((H1,), dtype=jnp.float32)
    return {"y_features": y_features, "edge_index": edge_index, "W1": W1, "gamma": gamma, "beta": beta}


def reference(y_features, edge_index, W1, gamma, beta):
    # GraphConvolutionLayer(hidden_dim2 -> hidden_dim1): dropout (identity in eval),
    # support = x @ W, out = spmm(adj, support), act=relu
    support = y_features @ W1
    src = edge_index[0]
    dst = edge_index[1]
    msgs = jnp.take(support, src, axis=0)            # gather
    agg = jax.ops.segment_sum(msgs, dst, num_segments=N)  # scatter-add (spmm)
    h = jax.nn.relu(agg)
    # BatchNorm1d (training-mode batch statistics, affine)
    mean = jnp.mean(h, axis=0)
    var = jnp.var(h, axis=0)
    hn = (h - mean) / jnp.sqrt(var + EPS) * gamma + beta
    # InnerProductLayer: dropout (identity in eval), act = identity -> z @ z.T
    out = hn @ hn.T
    return out

if __name__ == "__main__":
    import jax
    _d = setup_inputs()
    print(jax.jit(kernel)(*tuple(_d.values())))

</pallas_src>

<mosaic_0001>
#map = affine_map<(d0, d1) -> (0, 0)>
#map1 = affine_map<(d0, d1) -> (0)>
#map2 = affine_map<(d0, d1) -> (0, 0, 0)>
module attributes {stable_mosaic.version = 14 : i64} {
  func.func @spmm(%arg0: i32, %arg1: i32, %arg2: memref<10000x128xf32, #tpu.memory_space<hbm>>, %arg3: memref<320000xi32, #tpu.memory_space<hbm>>, %arg4: memref<320000xi32, #tpu.memory_space<hbm>>, %arg5: memref<10000x128xf32, #tpu.memory_space<hbm>>, %arg6: memref<2x10000x128xf32, #tpu.memory_space<hbm>>, %arg7: memref<128xi32, #tpu.memory_space<vmem>>, %arg8: memref<128xi32, #tpu.memory_space<vmem>>, %arg9: memref<128x128xf32, #tpu.memory_space<vmem>>, %arg10: memref<10000x128xf32, #tpu.memory_space<vmem_shared>>, %arg11: memref<!tpu.dma_semaphore, #tpu.memory_space<semaphore_mem>>) attributes {dimension_semantics = [#tpu.dimension_semantics<core_parallel>, #tpu.dimension_semantics<subcore_parallel>], iteration_bounds = array<i64: 2, 16>, scalar_prefetch = 0 : i64, scratch_operands = 5 : i64, tpu.core_type = #tpu.core_type<sc_vector_subcore>, window_params = [{transform_indices = #map}, {transform_indices = #map1}, {transform_indices = #map1}, {transform_indices = #map}, {transform_indices = #map2}]} {
    %mul3A = arith.constant 2 : i32
    %mul3A_0 = arith.muli %arg1, %mul3A : i32
    %add3A = arith.addi %mul3A_0, %arg0 : i32
    %lt3A = arith.constant 15 : i32
    %lt3A_1 = arith.cmpi slt, %arg1, %lt3A : i32
    %convert_element_type3A = arith.extui %lt3A_1 : i1 to i32
    %cond3A = arith.constant 0 : i32
    %cond3A_2 = arith.cmpi ne, %convert_element_type3A, %cond3A : i32
    scf.if %cond3A_2 {
      %mul3A_22 = arith.constant 624 : i32
      %mul3A_23 = arith.muli %arg1, %mul3A_22 : i32
      %mul3A_24 = arith.constant 624 : i32
      %mul3A_25 = arith.muli %arg1, %mul3A_24 : i32
      "tpu.region"() ({
        %run_scoped3A = tpu.sem_alloc : memref<!tpu.dma_semaphore, #tpu.memory_space<semaphore_mem>>
        %dma_start3A = arith.constant 0 : i32
        %dma_start3A_26 = tpu.memref_slice %arg10[%mul3A_25, %dma_start3A] : memref<10000x128xf32, #tpu.memory_space<vmem_shared>> -> memref<624x128xf32, #tpu.memory_space<vmem_shared>>
        %dma_start3A_27 = arith.constant 0 : i32
        %dma_start3A_28 = tpu.memref_slice %arg5[%mul3A_23, %dma_start3A_27] : memref<10000x128xf32, #tpu.memory_space<hbm>> -> memref<624x128xf32, #tpu.memory_space<hbm>>
        tpu.enqueue_dma source(%dma_start3A_28 : memref<624x128xf32, #tpu.memory_space<hbm>>) target(%dma_start3A_26 : memref<624x128xf32, #tpu.memory_space<vmem_shared>>) target_semaphore(%run_scoped3A : memref<!tpu.dma_semaphore, #tpu.memory_space<semaphore_mem>>)
        %dma_wait3A = arith.constant 0 : i32
        %dma_wait3A_29 = tpu.memref_slice %arg10[%mul3A_25, %dma_wait3A] : memref<10000x128xf32, #tpu.memory_space<vmem_shared>> -> memref<624x128xf32, #tpu.memory_space<vmem_shared>>
        %dma_wait3A_30 = arith.constant 0 : i32
        %dma_wait3A_31 = tpu.memref_slice %arg5[%mul3A_23, %dma_wait3A_30] : memref<10000x128xf32, #tpu.memory_space<hbm>> -> memref<624x128xf32, #tpu.memory_space<hbm>>
        tpu.wait_dma2 semaphore(%run_scoped3A : memref<!tpu.dma_semaphore, #tpu.memory_space<semaphore_mem>>) src(%dma_wait3A_31 : memref<624x128xf32, #tpu.memory_space<hbm>>) dst(%dma_wait3A_29 : memref<624x128xf32, #tpu.memory_space<vmem_shared>>)
        tpu.yield
      }) : () -> ()
    } else {
    }
    %eq3A = arith.constant 15 : i32
    %eq3A_3 = arith.cmpi eq, %arg1, %eq3A : i32
    %convert_element_type3A_4 = arith.extui %eq3A_3 : i1 to i32
    %cond3A_5 = arith.constant 0 : i32
    %cond3A_6 = arith.cmpi ne, %convert_element_type3A_4, %cond3A_5 : i32
    scf.if %cond3A_6 {
      "tpu.region"() ({
        %run_scoped3A = tpu.sem_alloc : memref<!tpu.dma_semaphore, #tpu.memory_space<semaphore_mem>>
        %dma_start3A = arith.constant 9360 : i32
        %dma_start3A_22 = arith.constant 0 : i32
        %dma_start3A_23 = tpu.memref_slice %arg10[%dma_start3A, %dma_start3A_22] : memref<10000x128xf32, #tpu.memory_space<vmem_shared>> -> memref<640x128xf32, #tpu.memory_space<vmem_shared>>
        %dma_start3A_24 = arith.constant 9360 : i32
        %dma_start3A_25 = arith.constant 0 : i32
        %dma_start3A_26 = tpu.memref_slice %arg5[%dma_start3A_24, %dma_start3A_25] : memref<10000x128xf32, #tpu.memory_space<hbm>> -> memref<640x128xf32, #tpu.memory_space<hbm>>
        tpu.enqueue_dma source(%dma_start3A_26 : memref<640x128xf32, #tpu.memory_space<hbm>>) target(%dma_start3A_23 : memref<640x128xf32, #tpu.memory_space<vmem_shared>>) target_semaphore(%run_scoped3A : memref<!tpu.dma_semaphore, #tpu.memory_space<semaphore_mem>>)
        %dma_wait3A = arith.constant 9360 : i32
        %dma_wait3A_27 = arith.constant 0 : i32
        %dma_wait3A_28 = tpu.memref_slice %arg10[%dma_wait3A, %dma_wait3A_27] : memref<10000x128xf32, #tpu.memory_space<vmem_shared>> -> memref<640x128xf32, #tpu.memory_space<vmem_shared>>
        %dma_wait3A_29 = arith.constant 9360 : i32
        %dma_wait3A_30 = arith.constant 0 : i32
        %dma_wait3A_31 = tpu.memref_slice %arg5[%dma_wait3A_29, %dma_wait3A_30] : memref<10000x128xf32, #tpu.memory_space<hbm>> -> memref<640x128xf32, #tpu.memory_space<hbm>>
        tpu.wait_dma2 semaphore(%run_scoped3A : memref<!tpu.dma_semaphore, #tpu.memory_space<semaphore_mem>>) src(%dma_wait3A_31 : memref<640x128xf32, #tpu.memory_space<hbm>>) dst(%dma_wait3A_28 : memref<640x128xf32, #tpu.memory_space<vmem_shared>>)
        tpu.yield
      }) : () -> ()
    } else {
    }
    %barrier3A = arith.constant 0 : index
    tpu.barrier barrier_id(%barrier3A)
    %scan3A = arith.constant 0 : i32
    %scan3A_7 = arith.constant 79 : i32
    %scan3A_8 = arith.addi %scan3A, %scan3A_7 : i32
    %scan3A_9 = arith.constant 1 : i32
    scf.for %scan3A_22 = %scan3A to %scan3A_8 step %scan3A_9  : i32 {
      %mul3A_23 = arith.constant 1 : i32
      %mul3A_24 = arith.muli %scan3A_22, %mul3A_23 : i32
      %add3A_25 = arith.constant 0 : i32
      %add3A_26 = arith.addi %add3A_25, %mul3A_24 : i32
      %mul3A_27 = arith.constant 32 : i32
      %mul3A_28 = arith.muli %add3A_26, %mul3A_27 : i32
      %add3A_29 = arith.addi %add3A, %mul3A_28 : i32
      %lt3A_30 = arith.constant 2500 : i32
      %lt3A_31 = arith.cmpi slt, %add3A_29, %lt3A_30 : i32
      %convert_element_type3A_32 = arith.extui %lt3A_31 : i1 to i32
      %cond3A_33 = arith.constant 0 : i32
      %cond3A_34 = arith.cmpi ne, %convert_element_type3A_32, %cond3A_33 : i32
      scf.if %cond3A_34 {
        %mul3A_35 = arith.constant 128 : i32
        %mul3A_36 = arith.muli %add3A_29, %mul3A_35 : i32
        "tpu.region"() ({
          %run_scoped3A = tpu.sem_alloc : memref<!tpu.dma_semaphore, #tpu.memory_space<semaphore_mem>>
          %dma_start3A_41 = tpu.memref_slice %arg3[%mul3A_36] : memref<320000xi32, #tpu.memory_space<hbm>> -> memref<128xi32, #tpu.memory_space<hbm>>
          %dma_start3A_42 = tpu.memref_slice %arg3[%mul3A_36] : memref<320000xi32, #tpu.memory_space<hbm>> -> memref<128xi32, #tpu.memory_space<hbm>>
          tpu.enqueue_dma source(%dma_start3A_42 : memref<128xi32, #tpu.memory_space<hbm>>) target(%arg7 : memref<128xi32, #tpu.memory_space<vmem>>) target_semaphore(%run_scoped3A : memref<!tpu.dma_semaphore, #tpu.memory_space<semaphore_mem>>)
          %dma_wait3A_43 = tpu.memref_slice %arg3[%mul3A_36] : memref<320000xi32, #tpu.memory_space<hbm>> -> memref<128xi32, #tpu.memory_space<hbm>>
          %dma_wait3A_44 = tpu.memref_slice %arg3[%mul3A_36] : memref<320000xi32, #tpu.memory_space<hbm>> -> memref<128xi32, #tpu.memory_space<hbm>>
          tpu.wait_dma2 semaphore(%run_scoped3A : memref<!tpu.dma_semaphore, #tpu.memory_space<semaphore_mem>>) src(%dma_wait3A_44 : memref<128xi32, #tpu.memory_space<hbm>>) dst(%arg7 : memref<128xi32, #tpu.memory_space<vmem>>)
          tpu.yield
        }) : () -> ()
        "tpu.region"() ({
          %run_scoped3A = tpu.sem_alloc : memref<!tpu.dma_semaphore, #tpu.memory_space<semaphore_mem>>
          %dma_start3A_41 = tpu.memref_slice %arg4[%mul3A_36] : memref<320000xi32, #tpu.memory_space<hbm>> -> memref<128xi32, #tpu.memory_space<hbm>>
          %dma_start3A_42 = tpu.memref_slice %arg4[%mul3A_36] : memref<320000xi32, #tpu.memory_space<hbm>> -> memref<128xi32, #tpu.memory_space<hbm>>
          tpu.enqueue_dma source(%dma_start3A_42 : memref<128xi32, #tpu.memory_space<hbm>>) target(%arg8 : memref<128xi32, #tpu.memory_space<vmem>>) target_semaphore(%run_scoped3A : memref<!tpu.dma_semaphore, #tpu.memory_space<semaphore_mem>>)
          %dma_wait3A_43 = tpu.memref_slice %arg4[%mul3A_36] : memref<320000xi32, #tpu.memory_space<hbm>> -> memref<128xi32, #tpu.memory_space<hbm>>
          %dma_wait3A_44 = tpu.memref_slice %arg4[%mul3A_36] : memref<320000xi32, #tpu.memory_space<hbm>> -> memref<128xi32, #tpu.memory_space<hbm>>
          tpu.wait_dma2 semaphore(%run_scoped3A : memref<!tpu.dma_semaphore, #tpu.memory_space<semaphore_mem>>) src(%dma_wait3A_44 : memref<128xi32, #tpu.memory_space<hbm>>) dst(%arg8 : memref<128xi32, #tpu.memory_space<vmem>>)
          tpu.yield
        }) : () -> ()
        %dma_start3A = arith.constant 0 : i32
        %dma_start3A_37 = arith.constant 0 : i32
        %dma_start3A_38 = tpu.memref_slice %arg2[%dma_start3A, %dma_start3A_37] : memref<10000x128xf32, #tpu.memory_space<hbm>> -> memref<10000x128xf32, #tpu.memory_space<hbm>>
        tpu.enqueue_indirect_dma source(%dma_start3A_38 : memref<10000x128xf32, #tpu.memory_space<hbm>>) target(%arg9 : memref<128x128xf32, #tpu.memory_space<vmem>>) offsets(%arg7 : memref<128xi32, #tpu.memory_space<vmem>>) semaphore(%arg11 : memref<!tpu.dma_semaphore, #tpu.memory_space<semaphore_mem>>)
        %dma_wait3A = arith.constant 0 : i32
        %dma_wait3A_39 = arith.constant 0 : i32
        %dma_wait3A_40 = tpu.memref_slice %arg2[%dma_wait3A, %dma_wait3A_39] : memref<10000x128xf32, #tpu.memory_space<hbm>> -> memref<10000x128xf32, #tpu.memory_space<hbm>>
        tpu.wait_indirect_dma semaphore(%arg11 : memref<!tpu.dma_semaphore, #tpu.memory_space<semaphore_mem>>) src(%dma_wait3A_40 : memref<10000x128xf32, #tpu.memory_space<hbm>>) dst(%arg9 : memref<128x128xf32, #tpu.memory_space<vmem>>)
        "tpu.region"() ({
          %run_scoped3A = tpu.sem_alloc : memref<!tpu.dma_semaphore, #tpu.memory_space<semaphore_mem>>
          %dma_start3A_41 = arith.constant 0 : i32
          %dma_start3A_42 = arith.constant 0 : i32
          %dma_start3A_43 = tpu.memref_slice %arg10[%dma_start3A_41, %dma_start3A_42] : memref<10000x128xf32, #tpu.memory_space<vmem_shared>> -> memref<10000x128xf32, #tpu.memory_space<vmem_shared>>
          tpu.enqueue_indirect_dma source(%arg9 : memref<128x128xf32, #tpu.memory_space<vmem>>) target(%dma_start3A_43 : memref<10000x128xf32, #tpu.memory_space<vmem_shared>>) offsets(%arg8 : memref<128xi32, #tpu.memory_space<vmem>>) semaphore(%run_scoped3A : memref<!tpu.dma_semaphore, #tpu.memory_space<semaphore_mem>>) {add = true}
          %dma_wait3A_44 = arith.constant 0 : i32
          %dma_wait3A_45 = arith.constant 0 : i32
          %dma_wait3A_46 = tpu.memref_slice %arg10[%dma_wait3A_44, %dma_wait3A_45] : memref<10000x128xf32, #tpu.memory_space<vmem_shared>> -> memref<10000x128xf32, #tpu.memory_space<vmem_shared>>
          tpu.wait_indirect_dma semaphore(%run_scoped3A : memref<!tpu.dma_semaphore, #tpu.memory_space<semaphore_mem>>) src(%arg9 : memref<128x128xf32, #tpu.memory_space<vmem>>) dst(%dma_wait3A_46 : memref<10000x128xf32, #tpu.memory_space<vmem_shared>>)
          tpu.yield
        }) : () -> ()
      } else {
      }
    }
    %scan3A_10 = arith.constant 79 : i32
    %barrier3A_11 = arith.constant 0 : index
    tpu.barrier barrier_id(%barrier3A_11)
    %lt3A_12 = arith.constant 15 : i32
    %lt3A_13 = arith.cmpi slt, %arg1, %lt3A_12 : i32
    %convert_element_type3A_14 = arith.extui %lt3A_13 : i1 to i32
    %cond3A_15 = arith.constant 0 : i32
    %cond3A_16 = arith.cmpi ne, %convert_element_type3A_14, %cond3A_15 : i32
    scf.if %cond3A_16 {
      %mul3A_22 = arith.constant 624 : i32
      %mul3A_23 = arith.muli %arg1, %mul3A_22 : i32
      %mul3A_24 = arith.constant 624 : i32
      %mul3A_25 = arith.muli %arg1, %mul3A_24 : i32
      "tpu.region"() ({
        %run_scoped3A = tpu.sem_alloc : memref<!tpu.dma_semaphore, #tpu.memory_space<semaphore_mem>>
        %dma_start3A = arith.constant 0 : i32
        %dma_start3A_26 = arith.constant 0 : i32
        %dma_start3A_27 = tpu.memref_slice %arg6[%arg0, %dma_start3A, %dma_start3A_26] : memref<2x10000x128xf32, #tpu.memory_space<hbm>> -> memref<1x10000x128xf32, #tpu.memory_space<hbm>>
        %dma_start3A_28 = tpu.memref_squeeze %dma_start3A_27 : memref<1x10000x128xf32, #tpu.memory_space<hbm>> -> memref<10000x128xf32, #tpu.memory_space<hbm>>
        %dma_start3A_29 = arith.constant 0 : i32
        %dma_start3A_30 = tpu.memref_slice %dma_start3A_28[%mul3A_25, %dma_start3A_29] : memref<10000x128xf32, #tpu.memory_space<hbm>> -> memref<624x128xf32, #tpu.memory_space<hbm>>
        %dma_start3A_31 = arith.constant 0 : i32
        %dma_start3A_32 = tpu.memref_slice %arg10[%mul3A_23, %dma_start3A_31] : memref<10000x128xf32, #tpu.memory_space<vmem_shared>> -> memref<624x128xf32, #tpu.memory_space<vmem_shared>>
        tpu.enqueue_dma source(%dma_start3A_32 : memref<624x128xf32, #tpu.memory_space<vmem_shared>>) target(%dma_start3A_30 : memref<624x128xf32, #tpu.memory_space<hbm>>) target_semaphore(%run_scoped3A : memref<!tpu.dma_semaphore, #tpu.memory_space<semaphore_mem>>)
        %dma_wait3A = arith.constant 0 : i32
        %dma_wait3A_33 = arith.constant 0 : i32
        %dma_wait3A_34 = tpu.memref_slice %arg6[%arg0, %dma_wait3A, %dma_wait3A_33] : memref<2x10000x128xf32, #tpu.memory_space<hbm>> -> memref<1x10000x128xf32, #tpu.memory_space<hbm>>
        %dma_wait3A_35 = tpu.memref_squeeze %dma_wait3A_34 : memref<1x10000x128xf32, #tpu.memory_space<hbm>> -> memref<10000x128xf32, #tpu.memory_space<hbm>>
        %dma_wait3A_36 = arith.constant 0 : i32
        %dma_wait3A_37 = tpu.memref_slice %dma_wait3A_35[%mul3A_25, %dma_wait3A_36] : memref<10000x128xf32, #tpu.memory_space<hbm>> -> memref<624x128xf32, #tpu.memory_space<hbm>>
        %dma_wait3A_38 = arith.constant 0 : i32
        %dma_wait3A_39 = tpu.memref_slice %arg10[%mul3A_23, %dma_wait3A_38] : memref<10000x128xf32, #tpu.memory_space<vmem_shared>> -> memref<624x128xf32, #tpu.memory_space<vmem_shared>>
        tpu.wait_dma2 semaphore(%run_scoped3A : memref<!tpu.dma_semaphore, #tpu.memory_space<semaphore_mem>>) src(%dma_wait3A_39 : memref<624x128xf32, #tpu.memory_space<vmem_shared>>) dst(%dma_wait3A_37 : memref<624x128xf32, #tpu.memory_space<hbm>>)
        tpu.yield
      }) : () -> ()
    } else {
    }
    %eq3A_17 = arith.constant 15 : i32
    %eq3A_18 = arith.cmpi eq, %arg1, %eq3A_17 : i32
    %convert_element_type3A_19 = arith.extui %eq3A_18 : i1 to i32
    %cond3A_20 = arith.constant 0 : i32
    %cond3A_21 = arith.cmpi ne, %convert_element_type3A_19, %cond3A_20 : i32
    scf.if %cond3A_21 {
      "tpu.region"() ({
        %run_scoped3A = tpu.sem_alloc : memref<!tpu.dma_semaphore, #tpu.memory_space<semaphore_mem>>
        %dma_start3A = arith.constant 0 : i32
        %dma_start3A_22 = arith.constant 0 : i32
        %dma_start3A_23 = tpu.memref_slice %arg6[%arg0, %dma_start3A, %dma_start3A_22] : memref<2x10000x128xf32, #tpu.memory_space<hbm>> -> memref<1x10000x128xf32, #tpu.memory_space<hbm>>
        %dma_start3A_24 = tpu.memref_squeeze %dma_start3A_23 : memref<1x10000x128xf32, #tpu.memory_space<hbm>> -> memref<10000x128xf32, #tpu.memory_space<hbm>>
        %dma_start3A_25 = arith.constant 9360 : i32
        %dma_start3A_26 = arith.constant 0 : i32
        %dma_start3A_27 = tpu.memref_slice %dma_start3A_24[%dma_start3A_25, %dma_start3A_26] : memref<10000x128xf32, #tpu.memory_space<hbm>> -> memref<640x128xf32, #tpu.memory_space<hbm>>
        %dma_start3A_28 = arith.constant 9360 : i32
        %dma_start3A_29 = arith.constant 0 : i32
        %dma_start3A_30 = tpu.memref_slice %arg10[%dma_start3A_28, %dma_start3A_29] : memref<10000x128xf32, #tpu.memory_space<vmem_shared>> -> memref<640x128xf32, #tpu.memory_space<vmem_shared>>
        tpu.enqueue_dma source(%dma_start3A_30 : memref<640x128xf32, #tpu.memory_space<vmem_shared>>) target(%dma_start3A_27 : memref<640x128xf32, #tpu.memory_space<hbm>>) target_semaphore(%run_scoped3A : memref<!tpu.dma_semaphore, #tpu.memory_space<semaphore_mem>>)
        %dma_wait3A = arith.constant 0 : i32
        %dma_wait3A_31 = arith.constant 0 : i32
        %dma_wait3A_32 = tpu.memref_slice %arg6[%arg0, %dma_wait3A, %dma_wait3A_31] : memref<2x10000x128xf32, #tpu.memory_space<hbm>> -> memref<1x10000x128xf32, #tpu.memory_space<hbm>>
        %dma_wait3A_33 = tpu.memref_squeeze %dma_wait3A_32 : memref<1x10000x128xf32, #tpu.memory_space<hbm>> -> memref<10000x128xf32, #tpu.memory_space<hbm>>
        %dma_wait3A_34 = arith.constant 9360 : i32
        %dma_wait3A_35 = arith.constant 0 : i32
        %dma_wait3A_36 = tpu.memref_slice %dma_wait3A_33[%dma_wait3A_34, %dma_wait3A_35] : memref<10000x128xf32, #tpu.memory_space<hbm>> -> memref<640x128xf32, #tpu.memory_space<hbm>>
        %dma_wait3A_37 = arith.constant 9360 : i32
        %dma_wait3A_38 = arith.constant 0 : i32
        %dma_wait3A_39 = tpu.memref_slice %arg10[%dma_wait3A_37, %dma_wait3A_38] : memref<10000x128xf32, #tpu.memory_space<vmem_shared>> -> memref<640x128xf32, #tpu.memory_space<vmem_shared>>
        tpu.wait_dma2 semaphore(%run_scoped3A : memref<!tpu.dma_semaphore, #tpu.memory_space<semaphore_mem>>) src(%dma_wait3A_39 : memref<640x128xf32, #tpu.memory_space<vmem_shared>>) dst(%dma_wait3A_36 : memref<640x128xf32, #tpu.memory_space<hbm>>)
        tpu.yield
      }) : () -> ()
    } else {
    }
    return
  }
}

module attributes {stable_mosaic.version = 14 : i64} {
  func.func @_support_body(%arg0: i32, %arg1: memref<2000x128xf32, #tpu.memory_space<vmem>>, %arg2: memref<128x128xf32, #tpu.memory_space<vmem>>, %arg3: memref<2000x128xf32, #tpu.memory_space<vmem>>) attributes {dimension_semantics = [#tpu.dimension_semantics<arbitrary>], iteration_bounds = array<i64: 5>, scalar_prefetch = 0 : i64, scratch_operands = 0 : i64, tpu.core_type = #tpu.core_type<tc>, window_params = [{transform_indices = @transform_0, window_bounds = array<i64: 2000, 128>}, {pipeline_mode = #tpu.pipeline_mode<synchronous>, transform_indices = @transform_1, window_bounds = array<i64: 128, 128>}, {transform_indices = @transform_2, window_bounds = array<i64: 2000, 128>}]} {
    %get3A = arith.constant 0 : index
    %get3A_0 = arith.constant 0 : index
    %get3A_1 = vector.load %arg1[%get3A, %get3A_0] : memref<2000x128xf32, #tpu.memory_space<vmem>>, vector<2000x128xf32>
    %get3A_2 = arith.constant 0 : index
    %get3A_3 = arith.constant 0 : index
    %get3A_4 = vector.load %arg2[%get3A_2, %get3A_3] : memref<128x128xf32, #tpu.memory_space<vmem>>, vector<128x128xf32>
    %dot_general3A = arith.constant dense<0.000000e+00> : vector<2000x128xf32>
    %dot_general3A_5 = tpu.matmul %get3A_1, %get3A_4, %dot_general3A {dimension_numbers = #tpu.dot_dimension_numbers<[1], [0], [0], [1], [0, 0, 1, 1], [], []>, transpose_lhs_hint = false} : vector<2000x128xf32>, vector<128x128xf32>, vector<2000x128xf32> -> vector<2000x128xf32>
    %swap3A = arith.constant 0 : index
    %swap3A_6 = arith.constant 0 : index
    %swap3A_7 = vector.load %arg3[%swap3A, %swap3A_6] : memref<2000x128xf32, #tpu.memory_space<vmem>>, vector<2000x128xf32>
    tpu.vector_store %arg3[%swap3A, %swap3A_6], %dot_general3A_5 {strides = array<i32>} : memref<2000x128xf32, #tpu.memory_space<vmem>>, vector<2000x128xf32>,
    return
  }
  func.func @transform_0(%arg0: i32) -> (i32, i32) {
    %c0_i32 = arith.constant 0 : i32
    %c0_i32_0 = arith.constant 0 : i32
    return %arg0, %c0_i32 : i32, i32
  }
  func.func @transform_1(%arg0: i32) -> (i32, i32) {
    %c0_i32 = arith.constant 0 : i32
    %c0_i32_0 = arith.constant 0 : i32
    %c0_i32_1 = arith.constant 0 : i32
    return %c0_i32, %c0_i32_0 : i32, i32
  }
  func.func @transform_2(%arg0: i32) -> (i32, i32) {
    %c0_i32 = arith.constant 0 : i32
    %c0_i32_0 = arith.constant 0 : i32
    return %arg0, %c0_i32 : i32, i32
  }
}

module attributes {stable_mosaic.version = 14 : i64} {
  func.func @_bn_body(%arg0: memref<2x10000x128xf32, #tpu.memory_space<vmem>>, %arg1: memref<1x128xf32, #tpu.memory_space<vmem>>, %arg2: memref<1x128xf32, #tpu.memory_space<vmem>>, %arg3: memref<10000x128xf32, #tpu.memory_space<vmem>>) attributes {dimension_semantics = [], scalar_prefetch = 0 : i64, scratch_operands = 0 : i64, tpu.core_type = #tpu.core_type<tc>} {
    %get3A = arith.constant 0 : index
    %get3A_0 = arith.constant 0 : index
    %get3A_1 = arith.constant 0 : index
    %get3A_2 = vector.load %arg0[%get3A, %get3A_0, %get3A_1] : memref<2x10000x128xf32, #tpu.memory_space<vmem>>, vector<1x10000x128xf32>
    %get3A_3 = vector.shape_cast %get3A_2 : vector<1x10000x128xf32> to vector<10000x128xf32>
    %get3A_4 = arith.constant 1 : index
    %get3A_5 = arith.constant 0 : index
    %get3A_6 = arith.constant 0 : index
    %get3A_7 = vector.load %arg0[%get3A_4, %get3A_5, %get3A_6] : memref<2x10000x128xf32, #tpu.memory_space<vmem>>, vector<1x10000x128xf32>
    %get3A_8 = vector.shape_cast %get3A_7 : vector<1x10000x128xf32> to vector<10000x128xf32>
    %add3A = arith.addf %get3A_3, %get3A_8 : vector<10000x128xf32>
    %max3A = arith.constant 0.000000e+00 : f32
    %max3A_9 = vector.broadcast %max3A : f32 to vector<10000x128xf32>
    %max3A_10 = arith.maximumf %add3A, %max3A_9 : vector<10000x128xf32>
    %reduce_sum3A = arith.constant dense<0.000000e+00> : vector<128xf32>
    %reduce_sum3A_11 = vector.multi_reduction <add>, %max3A_10, %reduce_sum3A [0] : vector<10000x128xf32> to vector<128xf32>
    %broadcast_in_dim3A = vector.shape_cast %reduce_sum3A_11 : vector<128xf32> to vector<1x128xf32>
    %div3A = arith.constant 1.000000e+04 : f32
    %div3A_12 = vector.broadcast %div3A : f32 to vector<1x128xf32>
    %div3A_13 = arith.divf %broadcast_in_dim3A, %div3A_12 : vector<1x128xf32>
    %mul3A = arith.mulf %max3A_10, %max3A_10 : vector<10000x128xf32>
    %reduce_sum3A_14 = arith.constant dense<0.000000e+00> : vector<128xf32>
    %reduce_sum3A_15 = vector.multi_reduction <add>, %mul3A, %reduce_sum3A_14 [0] : vector<10000x128xf32> to vector<128xf32>
    %broadcast_in_dim3A_16 = vector.shape_cast %reduce_sum3A_15 : vector<128xf32> to vector<1x128xf32>
    %div3A_17 = arith.constant 1.000000e+04 : f32
    %div3A_18 = vector.broadcast %div3A_17 : f32 to vector<1x128xf32>
    %div3A_19 = arith.divf %broadcast_in_dim3A_16, %div3A_18 : vector<1x128xf32>
    %mul3A_20 = arith.mulf %div3A_13, %div3A_13 : vector<1x128xf32>
    %sub3A = arith.subf %div3A_19, %mul3A_20 : vector<1x128xf32>
    %add3A_21 = arith.constant 9.99999974E-6 : f32
    %add3A_22 = vector.broadcast %add3A_21 : f32 to vector<1x128xf32>
    %add3A_23 = arith.addf %sub3A, %add3A_22 : vector<1x128xf32>
    %rsqrt3A = math.rsqrt %add3A_23 : vector<1x128xf32>
    %sub3A_24 = vector.broadcast %div3A_13 : vector<1x128xf32> to vector<10000x128xf32>
    %sub3A_25 = arith.subf %max3A_10, %sub3A_24 : vector<10000x128xf32>
    %get3A_26 = arith.constant 0 : index
    %get3A_27 = arith.constant 0 : index
    %get3A_28 = vector.load %arg1[%get3A_26, %get3A_27] : memref<1x128xf32, #tpu.memory_space<vmem>>, vector<1x128xf32>
    %mul3A_29 = arith.mulf %rsqrt3A, %get3A_28 : vector<1x128xf32>
    %mul3A_30 = vector.broadcast %mul3A_29 : vector<1x128xf32> to vector<10000x128xf32>
    %mul3A_31 = arith.mulf %sub3A_25, %mul3A_30 : vector<10000x128xf32>
    %get3A_32 = arith.constant 0 : index
    %get3A_33 = arith.constant 0 : index
    %get3A_34 = vector.load %arg2[%get3A_32, %get3A_33] : memref<1x128xf32, #tpu.memory_space<vmem>>, vector<1x128xf32>
    %add3A_35 = vector.broadcast %get3A_34 : vector<1x128xf32> to vector<10000x128xf32>
    %add3A_36 = arith.addf %mul3A_31, %add3A_35 : vector<10000x128xf32>
    %swap3A = arith.constant 0 : index
    %swap3A_37 = arith.constant 0 : index
    %swap3A_38 = vector.load %arg3[%swap3A, %swap3A_37] : memref<10000x128xf32, #tpu.memory_space<vmem>>, vector<10000x128xf32>
    tpu.vector_store %arg3[%swap3A, %swap3A_37], %add3A_36 {strides = array<i32>} : memref<10000x128xf32, #tpu.memory_space<vmem>>, vector<10000x128xf32>,
    return
  }
}

module attributes {stable_mosaic.version = 14 : i64} {
  func.func @_gram_body(%arg0: i32, %arg1: i32, %arg2: memref<2048x128xf32, #tpu.memory_space<vmem>>, %arg3: memref<2048x128xf32, #tpu.memory_space<vmem>>, %arg4: memref<2048x2048xf32, #tpu.memory_space<vmem>>) attributes {dimension_semantics = [#tpu.dimension_semantics<arbitrary>, #tpu.dimension_semantics<arbitrary>], iteration_bounds = array<i64: 5, 5>, scalar_prefetch = 0 : i64, scratch_operands = 0 : i64, tpu.core_type = #tpu.core_type<tc>, window_params = [{transform_indices = @transform_0, window_bounds = array<i64: 2048, 128>}, {transform_indices = @transform_1, window_bounds = array<i64: 2048, 128>}, {transform_indices = @transform_2, window_bounds = array<i64: 2048, 2048>}]} {
    %get3A = arith.constant 0 : index
    %get3A_0 = arith.constant 0 : index
    %get3A_1 = vector.load %arg2[%get3A, %get3A_0] : memref<2048x128xf32, #tpu.memory_space<vmem>>, vector<2048x128xf32>
    %get3A_2 = arith.constant 0 : index
    %get3A_3 = arith.constant 0 : index
    %get3A_4 = vector.load %arg3[%get3A_2, %get3A_3] : memref<2048x128xf32, #tpu.memory_space<vmem>>, vector<2048x128xf32>
    %dot_general3A = arith.constant dense<0.000000e+00> : vector<2048x2048xf32>
    %dot_general3A_5 = tpu.matmul %get3A_1, %get3A_4, %dot_general3A {dimension_numbers = #tpu.dot_dimension_numbers<[1], [1], [0], [0], [0, 0, 1, 0], [], []>, transpose_lhs_hint = false} : vector<2048x128xf32>, vector<2048x128xf32>, vector<2048x2048xf32> -> vector<2048x2048xf32>
    %swap3A = arith.constant 0 : index
    %swap3A_6 = arith.constant 0 : index
    %swap3A_7 = vector.load %arg4[%swap3A, %swap3A_6] : memref<2048x2048xf32, #tpu.memory_space<vmem>>, vector<2048x2048xf32>
    tpu.vector_store %arg4[%swap3A, %swap3A_6], %dot_general3A_5 {strides = array<i32>} : memref<2048x2048xf32, #tpu.memory_space<vmem>>, vector<2048x2048xf32>,
    return
  }
  func.func @transform_0(%arg0: i32, %arg1: i32) -> (i32, i32) {
    %c0_i32 = arith.constant 0 : i32
    %c0_i32_0 = arith.constant 0 : i32
    return %arg0, %c0_i32 : i32, i32
  }
  func.func @transform_1(%arg0: i32, %arg1: i32) -> (i32, i32) {
    %c0_i32 = arith.constant 0 : i32
    %c0_i32_0 = arith.constant 0 : i32
    return %arg1, %c0_i32 : i32, i32
  }
  func.func @transform_2(%arg0: i32, %arg1: i32) -> (i32, i32) {
    %c0_i32 = arith.constant 0 : i32
    return %arg0, %arg1 : i32, i32
  }
}

</mosaic_0001>

<sc_bundles>
// kernel: kernel.6.cloned.1.call-start
scs
__scs_entry_jumppad:
0x0: {  	(pc) =	sbr.rel $0x88, $3  }
0x1: {  	(tag) =	ssettag $0x0;
	lr =	simm.s32 $0x1  }
0x2: {  	[smem:$0x3F9C] =	sst lr;
	_ =	strace $0xD0000000  }
0x3: {  	_ = 	snop  }
0x4: {  	_ = 	snop  }
0x5: {  	_ = 	snop  }
0x6: {  	_ = 	snop  }
0x7: {  	_ = 	snop  }
__scs_overlays_trampoline_lowered:
0x8: {  	[smem:$0x3FAB] =	sst s0  }
0x9: {  	[smem:$0x3FAC] =	sst s1  }
0xa: {  	[smem:$0x3FAD] =	sst s2  }
0xb: {  	[smem:$0x3FAE] =	sst s3  }
0xc: {  	[smem:$0x3FAF] =	sst s4  }
0xd: {  	[smem:$0x3FB0] =	sst s5  }
0xe: {  	[smem:$0x3FB1] =	sst s6  }
0xf: {  	[smem:$0x3FB2] =	sst s7  }
0x10: {  	[smem:$0x3FB3] =	sst s8  }
0x11: {  	[smem:$0x3FB4] =	sst s9;
	s0 =	simm.s32 @!p0 $0x0  }
0x12: {  	s1 =	sld [smem:$0x3F9A];
	s0 =	simm.s32 @p0 $0x1  }
0x13: {  	[smem:$0x3FB5] =	sst s0;
	s0 =	simm.s32 @!p1 $0x0  }
0x14: {  	s2 =	sld [smem:$0x3F99];
	s0 =	simm.s32 @p1 $0x1  }
0x15: {  	[smem:$0x3FB6] =	sst s0;
	s0 =	simm.s32 @!p2 $0x0  }
0x16: {  	s3 =	sld [smem:$0x3FDB];
	s0 =	simm.s32 @p2 $0x1  }
0x17: {  	s4 =	simm.s32 $0x1BF5;
	[smem:$0x3FB8] =	sst s0  }
0x18: {  	s0 =	sld [smem:$0x3F9B];
	_ =	swait.ge [sflag:s4], $0x0  }
0x19: {  	s7 =	sld [smem:$0x3F9C]  }
0x1a: {  	s8 =	sadd.s32 $0xFFFFE003, lr  }
0x1b: {  	s9 =	sadd.s32 $0xFFFFFEF7, lr;
	s5 =	simm.s32 $0xFFFFFFFF;
	p2 =	slt.u32 s8, $0xFFFFF086  }
0x1c: {  	p1 =	slt.u32 s9, $0xF7A;
	s5 =	simm.s32 @!p2 $0x0  }
0x1d: {  	s5 =	simm.s32 @p1 $0x1;
	p0 =	seq.s32 s7, s2  }
0x1e: {  	s7 =	smul.u32 @!p0 $0xF7A, s2;
	p2 =	seq.s32 @!p0 s5, $0x0  }
0x1f: {  	s9 =	smul.u32 $0xF7A, s1;
	s8 =	simm.s32 @!p0 $0x1BF5;
	p2 =	por !p2, p0  }
0x20: {  	[sflag:s8] =	ssyncset.s32 @!p0 $0xFFFFF086;
	s6 =	sadd.s32 @!p0 s3, s7;
	s7 =	simm.s32 @!p0 $0x108  }
0x21: {  	s3 =	sadd.s32 s3, s9;
	s6 =	sadd.s32 @!p0 $0x88, s6;
	s7 =	simm.s32 @p2 $0x1082  }
0x22: {  	[simem:s7], [sflag:s8] =	dma.local @!p0 [hbm:s6], $0xF7A  }
0x23: {  	s9 =	sor.u32 $0xD0000000, s2;
	s6 =	simm.s32 $0x108;
	_ =	swait.ge @!p0 [sflag:s8], $0x0  }
0x24: {  	s3 =	sadd.s32 $0x88, s3;
	s6 =	simm.s32 @!p1 $0x1082;
	[sflag:s4] =	ssyncset.s32 $0xFFFFF086  }
0x25: {  	[simem:s6], [sflag:s4] =	dma.local [hbm:s3], $0xF7A  }
0x26: {  	[smem:$0x3F9C] =	sst s1;
	(tag) =	ssettag s2;
	_ =	strace s9  }
0x27: {  	s1 =	sld [smem:$0x3FAC]  }
0x28: {  	s2 =	sld [smem:$0x3FAD]  }
0x29: {  	s4 =	sld [smem:$0x3FAF]  }
0x2a: {  	p0 =	seq.s32 s5, $0x0;
	s5 =	sld [smem:$0x3FB0]  }
0x2b: {  	s6 =	sld [smem:$0x3FB1]  }
0x2c: {  	s7 =	sld [smem:$0x3FB2]  }
0x2d: {  	s3 =	simm.s32 $0x108;
	s8 =	sld [smem:$0x3FB3]  }
0x2e: {  	s3 =	simm.s32 @!p0 $0x1082;
	s9 =	sld [smem:$0x3FB4]  }
0x2f: {  	lr =	sadd.s32 s0, s3;
	s0 =	sld [smem:$0x3FAB]  }
0x30: {  	s3 =	sld [smem:$0x3FAE]  }
0x31: {  	[smem:$0x3FB7] =	sst s10  }
0x32: {  	s10 =	sld [smem:$0x3FB5];
	_ =	sdelay $0x3  }
0x33: {  	p0 =	seq.s32 s10, $0x1;
	s10 =	sld [smem:$0x3FB7];
	_ =	sdelay $0x3  }
0x34: {  	[smem:$0x3FB7] =	sst s10  }
0x35: {  	s10 =	sld [smem:$0x3FB6];
	_ =	sdelay $0x3  }
0x36: {  	p1 =	seq.s32 s10, $0x1;
	s10 =	sld [smem:$0x3FB7];
	_ =	sdelay $0x3  }
0x37: {  	[smem:$0x3FB7] =	sst s10  }
0x38: {  	s10 =	sld [smem:$0x3FB8]  }
0x39: {  	_ = 	snop;
	(pc) =	sbr.ind lr, $3  }
0x3a: {  	_ = 	snop  }
0x3b: {  	_ = 	snop  }
0x3c: {  	p2 =	seq.s32 s10, $0x1;
	s10 =	sld [smem:$0x3FB7]  }
0x3d: {  	_ =	shalt  }
0x3e: {  	_ =	shalt  }
0x3f: {  	_ =	shalt  }
0x40: {  	_ =	shalt  }
0x41: {  	_ =	shalt  }
0x42: {  	_ =	shalt  }
0x43: {  	_ =	shalt  }
0x44: {  	_ =	shalt  }
0x45: {  	_ =	shalt  }
0x46: {  	_ =	shalt  }
0x47: {  	_ =	shalt  }
0x48: {  	_ =	shalt  }
0x49: {  	_ =	shalt  }
0x4a: {  	_ =	shalt  }
0x4b: {  	_ =	shalt  }
0x4c: {  	_ =	shalt  }
0x4d: {  	_ =	shalt  }
0x4e: {  	_ =	shalt  }
0x4f: {  	_ =	shalt  }
0x50: {  	_ =	shalt  }
0x51: {  	_ =	shalt  }
0x52: {  	_ =	shalt  }
0x53: {  	_ =	shalt  }
0x54: {  	_ =	shalt  }
0x55: {  	_ =	shalt  }
0x56: {  	_ =	shalt  }
0x57: {  	_ =	shalt  }
0x58: {  	_ =	shalt  }
0x59: {  	_ =	shalt  }
0x5a: {  	_ =	shalt  }
0x5b: {  	_ =	shalt  }
0x5c: {  	_ =	shalt  }
0x5d: {  	_ =	shalt  }
0x5e: {  	_ =	shalt  }
0x5f: {  	_ =	shalt  }
0x60: {  	_ =	shalt  }
0x61: {  	_ =	shalt  }
0x62: {  	_ =	shalt  }
0x63: {  	_ =	shalt  }
0x64: {  	_ =	shalt  }
0x65: {  	_ =	shalt  }
0x66: {  	_ =	shalt  }
0x67: {  	_ =	shalt  }
0x68: {  	_ =	shalt  }
0x69: {  	_ =	shalt  }
0x6a: {  	_ =	shalt  }
0x6b: {  	_ =	shalt  }
0x6c: {  	_ =	shalt  }
0x6d: {  	_ =	shalt  }
0x6e: {  	_ =	shalt  }
0x6f: {  	_ =	shalt  }
0x70: {  	_ =	shalt  }
0x71: {  	_ =	shalt  }
0x72: {  	_ =	shalt  }
0x73: {  	_ =	shalt  }
0x74: {  	_ =	shalt  }
0x75: {  	_ =	shalt  }
0x76: {  	_ =	shalt  }
0x77: {  	_ =	shalt  }
0x78: {  	_ =	shalt  }
0x79: {  	_ =	shalt  }
0x7a: {  	_ =	shalt  }
0x7b: {  	_ =	shalt  }
0x7c: {  	_ =	shalt  }
0x7d: {  	_ =	shalt  }
0x7e: {  	_ =	shalt  }
0x7f: {  	_ =	shalt  }
0x80: {  	_ =	shalt  }
0x81: {  	_ =	shalt  }
0x82: {  	_ =	shalt  }
0x83: {  	_ =	shalt  }
0x84: {  	_ =	shalt  }
0x85: {  	_ =	shalt  }
0x86: {  	_ =	shalt  }
0x87: {  	_ =	shalt  }
.Lfunc_end0:
.L_simem_size_0:
called_computation_lowered:
.L_overlay_start_0:
0x88: {  	s2 =	sld [smem:$0x3FD9]  }
0x89: {  	s3 =	sld [smem:$0x3FFE];
	_ =	sdelay $0x1  }
0x8a: {  	s1 =	srdreg.scid  }
0x8b: {  	s0 =	sand.u32 $0x1, s1  }
0x8c: {  	s17 =	sshll.u32 s0, $0xA;
	s2 =	sadd.s32 s3, s2  }
0x8d: {  	s2 =	sadd.s32 s2, s17  }
0x8e: {  	[smem:$0x3FC3] =	sst s2  }
0x8f: {  	_ = 	snop  }
0x90: {  	s2 =	sld [smem:$0x3FD0];
	(tm) =	ssettm $0x1  }
0x91: {  	s18 =	sld [smem:$0x3FFB];
	_ =	sdelay $0x3  }
0x92: {  	_ =	strace s18  }
0x93: {  	s3 =	sld [smem:$0x3FFC];
	_ =	sdelay $0x3  }
0x94: {  	_ =	strace s3  }
0x95: {  	s3 =	sld [smem:$0x3FFD];
	_ =	sdelay $0x3  }
0x96: {  	_ =	strace s3  }
0x97: {  	_ =	strace $0x8FFFFFFF  }
0x98: {  	s19 =	sld [smem:$0x3FDB];
	_ =	sdelay $0x1  }
0x99: {  	s4 =	simm.s32 $_scs_section_size  }
0x9a: {  	s5 =	simm.s32 $_size__tile_overlayer_lowered;
	s6 =	simm.s32 $_tile_overlayer_lowered  }
0x9b: {  	s22 =	simm.s32 $0x1BFF;
	s21 =	sshll.u32 s6, $0x1;
	s3 =	sadd.s32 s4, s19  }
0x9c: {  	s7 =	simm.s32 $0x0;
	s20 =	sshll.u32 s5, $0x1;
	s5 =	sadd.s32 s21, s3  }
0x9d: {  	[timem:s7], [sflag:s22] =	dma.local [hbm:s5], s20  }
0x9e: {  	_ =	swait.ge [sflag:s22], s20  }
0x9f: {  	s4 =	ssub.s32 $0x0, s20;
	[sflag:s22] =	ssyncset.done $0x0  }
0xa0: {  	[sflag:s22] =	ssyncadd.s32 s4;
	_ =	sdelay $0x1  }
0xa1: {  	s23 =	simm.s32 $0x1B8B  }
0xa2: {  	_ =	swait.ge [sflag:s23], $0x1  }
0xa3: {  	[sflag:s23] =	ssyncset.done $0x0  }
0xa4: {  	s25 =	simm.s32 $0x1B8E;
	s24 =	sld [smem:$0x3FFE];
	[sflag:s23] =	ssyncadd.s32 $0xFFFFFFFF  }
0xa5: {  	s26 =	simm.s32 $execute0_lowered;
	[smem:$0x3FD2] =	sst s25  }
0xa6: {  	s5 =	sshll.u32 s26, $0x1;
	_ =	strace $0x80000046;
	[dreg:$0x1] =	wrdreg $0xFFFFFFFF  }
0xa7: {  	s28 =	simm.s32 $_size_execute0_lowered;
	s3 =	sadd.s32 s3, s5;
	[dreg:$0x0] =	wrdreg $0x0  }
0xa8: {  	s5 =	sshll.u32 s28, $0x1;
	[dreg:$0x2] =	wrdreg s3  }
0xa9: {  	[dreg:$0x3] =	wrdreg s5  }
0xaa: {  	[dreg:$0x4] =	wrdreg $0xC0  }
0xab: {  	_ =	task [dreg:s7], $0x5FFFF  }
0xac: {  	[dreg:$0x1] =	wrdreg $0xFFFFFFFF  }
0xad: {  	[dreg:$0x0] =	wrdreg $0x60  }
0xae: {  	[dreg:$0x2] =	wrdreg s24  }
0xaf: {  	[dreg:$0x3] =	wrdreg s2  }
0xb0: {  	[dreg:$0x4] =	wrdreg $0x41000  }
0xb1: {  	[dreg:$0x5] =	wrdreg $0x9  }
0xb2: {  	_ =	task.clear_ibuf [dreg:s7], $0x6FFFF;
	_ =	strace $0x90000046  }
0xb3: {  	s29 =	simm.s32 $0x9;
	_ =	strace $0x80000048  }
0xb4: {  	_ =	swait.ge [sflag:s29], $0x1  }
0xb5: {  	[sflag:s29] =	ssyncadd.s32 $0xFFFFFFFF  }
0xb6: {  	_ =	strace $0x90000048  }
0xb7: {  	_ =	sfence  }
0xb8: {  	s30 =	sld [smem:$0x0];
	_ =	sdelay $0x2  }
0xb9: {  	s31 =	sshll.u32 s1, $0xD;
	s1 =	sshrl.u32 s1, $0x2  }
0xba: {  	s3 =	sand.u32 $0x4000, s31;
	s1 =	sadd.s32 s1, s30  }
0xbb: {  	s0 =	sor.u32 s3, s0;
	s1 =	sshll.u32 s1, $0x11  }
0xbc: {  	s0 =	sor.u32 s1, s0  }
0xbd: {  	s0 =	sadd.s32 $0x8F2B, s0  }
0xbe: {  	[sflag:s0] =	ssyncadd.remote.s32 $0x1  }
0xbf: {  	_ =	sfence.sel $0xFFFF  }
0xc0: {  	[dreg:$0x0] =	wrdreg $0xFFFFFFFF;
	(pc) =	sbr.abs _section_cstart, $3  }
0xc1: {  	[dreg:$0x1] =	wrdreg $0xFFFFFFFF  }
0xc2: {  	_ =	task.clear_ibuf [dreg:s7], $0x2FFFF;
	_ =	strace $0x9FFFFFFF  }
0xc3: {  	(tm) =	ssettm $0x7FFFFFFF  }
tec
execute0_lowered:
.L_overlay_start_1:
0x0: {  	(tag) =	ssettag $0x1  }
0x1: {  	s7 =	rddreg [dreg:$0x0]  }
0x2: {  	s8 =	rddreg [dreg:$0x1]  }
0x3: {  	s1 =	rddreg [dreg:$0x2]  }
0x4: {  	s0 =	rddreg [dreg:$0x3];
	s3 =	simm.s32 $0x0;
	s2 =	stileid.u32  }
0x5: {  	s5 =	srdreg.scid;
	[smem:$0x7FF] =	sst s3;
	s4 =	sadd.s32 $0x14400, s7  }
0x6: {  	s15 =	smul.u32 $0x2700, s2;
	s9 =	sand.u32 $0x1, s5;
	s26 =	sshll.u32 s2, $0x5  }
0x7: {  	s10 =	smul.u32 $0x4E000, s2;
	s5 =	sshll.u32 s2, $0x1;
	p0 =	seq.s32 s2, $0xF  }
0x8: {  	_ =	strace $0x80000047;
	s6 =	ssub.s32 $0x2, s9;
	s11 =	sadd.s32 s26, s7  }
0x9: {  	s30 =	smul.u32 $0x27100, s9;
	s9 =	sshll.u32 s9, $0x4;
	s12 =	sadd.s32 s15, s7  }
0xa: {  	s28 =	sshrl.u32 s6, $0x1;
	s29 =	sshrl.u32 s10, $0x2;
	s7 =	sadd.s32 $0x5FF00, s7  }
0xb: {  	s31 =	sadd.s32 s9, s11;
	s13 =	ssub.s32 s6, s28;
	s14 =	sadd.s32 s29, s1  }
0xc: {  	s6 =	sadd.s32 $0x3B600, s12;
	s12 =	sadd.s32 $0x124800, s1;
	s16 =	sadd.s32 s8, s30  }
0xd: {  	s9 =	sadd.s32 $0x800, s31;
	s10 =	sadd.s32 $0xA600, s31;
	s8 =	smax.u32 s13, $0x1  }
0xe: {  	s13 =	sshll.u32 @!p0 s2, $0x6;
	s11 =	sshrl.u32 @p0 s12, $0x3;
	s15 =	sadd.s32 @!p0 s15, s16  }
0xf: {  	s12 =	sor.u32 @!p0 $0x1C02, s13;
	s13 =	sshrl.u32 @!p0 s14, $0x3;
	s14 =	sadd.s32 @p0 $0x24900, s16  }
.LBB2_1:
0x10: {  	s16 =	simm.s32 @p0 $0x1FC2  }
0x11: {  	[spmem:s11], [sflag:s16] =	dma.local @p0 [hbm:s7], $0x2800  }
0x12: {  	s16 =	simm.s32 @p0 $0x2  }
0x13: {  	_ =	swait.ge @p0 [sflag:s16], $0x2800  }
0x14: {  	[sflag:s16] =	ssyncset.done @p0 $0x0  }
0x15: {  	[sflag:s16] =	ssyncadd.s32 @p0 $0xFFFFD800;
	s16 =	simm.s32 @!p0 $0x2  }
0x16: {  	[spmem:s13], [sflag:s12] =	dma.local @!p0 [hbm:s6], $0x2700  }
0x17: {  	_ =	swait.ge @!p0 [sflag:s16], $0x2700  }
0x18: {  	p1 =	sgt.u32 s5, $0x9C3;
	[sflag:s16] =	ssyncset.done @!p0 $0x0  }
0x19: {  	s17 =	simm.s32 @!p1 $0x0;
	[sflag:s16] =	ssyncadd.s32 @!p0 $0xFFFFD900  }
0x1a: {  	s18 =	simm.s32 @!p1 $0x3;
	s16 =	sadd.s32 @!p1 $0x0, s10;
	[bflag:$0x0] =	sbarrier.arrive $0xFFFF  }
0x1b: {  	[tilespmem:s17], [sflag:$0x3] =	stream.linear.gather @!p1 [hbm4b:s16+s17], $0x80, $0x38;
	[tilespmem:$0x17980] =	vst v63  }
0x1c: {  	_ =	swait.ge @!p1 [sflag:s18], $0x80;
	p1 =	por p1, p1  }
0x1d: {  	[sflag:s18] =	ssyncset.done @!p1 $0x0  }
0x1e: {  	s16 =	sadd.s32 @!p1 $0x0, s9;
	s19 =	simm.s32 @!p1 $0x80;
	[sflag:s18] =	ssyncadd.s32 @!p1 $0xFFFFFF80  }
0x1f: {  	[tilespmem:s19], [sflag:$0x3] =	stream.linear.gather @!p1 [hbm4b:s16+s17], $0x80, $0x38;
	[tilespmem:$0x17980] =	vst v63  }
0x20: {  	_ =	swait.ge @!p1 [sflag:s18], $0x80  }
0x21: {  	[sflag:s18] =	ssyncset.done @!p1 $0x0  }
0x22: {  	s16 =	simm.s32 @!p1 $0x100;
	[sflag:s18] =	ssyncadd.s32 @!p1 $0xFFFFFF80;
	s18 =	simm.s32 @!p1 $0x1  }
0x23: {  	[tilespmem:s16], [sflag:$0x1] =	stream.indirect.gather @!p1 [hbm4b:s4+s19], $0x80, s17, s19, $0xb8;
	[tilespmem:$0x17980] =	vst v63  }
0x24: {  	_ =	swait.ge @!p1 [sflag:s18], $0x4000  }
0x25: {  	[sflag:s18] =	ssyncset.done @!p1 $0x0  }
0x26: {  	s17 =	sadd.s32 $0x20, s5;
	[sflag:s18] =	ssyncadd.s32 @!p1 $0xFFFFC000  }
0x27: {  	[spmem:s1] =	stream.indirect.scatter.add.f32 @!p1 [tilespmem:s16], [sflag:$0x2], $0x80, s19, s19, $0xb8;
	[tilespmem:$0x17980] =	vst v63  }
0x28: {  	p3 =	sgt.u32 s17, $0x9C3;
	s19 =	simm.s32 @!p1 $0x2  }
0x29: {  	s18 =	simm.s32 $0x400;
	s16 =	simm.s32 $0x200;
	_ =	swait.ge @!p1 [sflag:s19], $0x4000  }
.LBB2_2:
0x2a: {  	s20 =	sadd.s32 @!p3 s16, s10  }
0x2b: {  	s21 =	simm.s32 @!p3 $0x0;
	[sflag:s19] =	ssyncset.done @!p1 $0x0;
	s22 =	smov.u32 s18  }
0x2c: {  	s18 =	sadd.s32 $0x200, s18;
	s23 =	simm.s32 @!p3 $0x3;
	[sflag:s19] =	ssyncadd.s32 @!p1 $0xFFFFC000  }
0x2d: {  	[tilespmem:s21], [sflag:$0x3] =	stream.linear.gather @!p3 [hbm4b:s20+s21], $0x80, $0x38;
	[tilespmem:$0x17980] =	vst v63  }
0x2e: {  	p2 =	sne.s32 s18, $0x9E00;
	p1 =	por p3, p3;
	_ =	swait.ge @!p3 [sflag:s23], $0x80  }
0x2f: {  	[sflag:s23] =	ssyncset.done @!p1 $0x0  }
0x30: {  	s16 =	sadd.s32 @!p1 s16, s9;
	s20 =	simm.s32 @!p1 $0x80;
	[sflag:s23] =	ssyncadd.s32 @!p1 $0xFFFFFF80  }
0x31: {  	[tilespmem:s20], [sflag:$0x3] =	stream.linear.gather @!p1 [hbm4b:s16+s21], $0x80, $0x38;
	[tilespmem:$0x17980] =	vst v63  }
0x32: {  	s16 =	smov.u32 s22;
	_ =	swait.ge @!p1 [sflag:s23], $0x80  }
0x33: {  	[sflag:s23] =	ssyncset.done @!p1 $0x0  }
0x34: {  	s19 =	simm.s32 @!p1 $0x1;
	s22 =	simm.s32 @!p1 $0x100;
	[sflag:s23] =	ssyncadd.s32 @!p1 $0xFFFFFF80  }
0x35: {  	[tilespmem:s22], [sflag:$0x1] =	stream.indirect.gather @!p1 [hbm4b:s4+s20], $0x80, s21, s20, $0xb8;
	[tilespmem:$0x17980] =	vst v63  }
.Ltmp0:
0x36: {  	_ =	swait.ge @!p1 [sflag:s19], $0x4000;
	(pc) =	sbr.rel @p2 .LBB2_2-.Ltmp0, $4  }
0x37: {  	[sflag:s19] =	ssyncset.done @!p1 $0x0  }
0x38: {  	s17 =	sadd.s32 $0x20, s17;
	[sflag:s19] =	ssyncadd.s32 @!p1 $0xFFFFC000;
	s19 =	simm.s32 @!p1 $0x2  }
0x39: {  	[spmem:s1] =	stream.indirect.scatter.add.f32 @!p1 [tilespmem:s22], [sflag:$0x2], $0x80, s20, s20, $0xb8;
	[tilespmem:$0x17980] =	vst v63  }
0x3a: {  	p3 =	sgt.u32 s17, $0x9C3;
	_ =	swait.ge @!p1 [sflag:s19], $0x4000  }
0x3b: {  	s17 =	sadd.s32 @!p3 s16, s10;
	[sflag:s19] =	ssyncset.done @!p1 $0x0  }
0x3c: {  	s18 =	simm.s32 @!p3 $0x0;
	s20 =	simm.s32 @!p3 $0x3;
	[sflag:s19] =	ssyncadd.s32 @!p1 $0xFFFFC000  }
0x3d: {  	[tilespmem:s18], [sflag:$0x3] =	stream.linear.gather @!p3 [hbm4b:s17+s18], $0x80, $0x38;
	[tilespmem:$0x17980] =	vst v63  }
0x3e: {  	p1 =	por p3, p3;
	_ =	swait.ge @!p3 [sflag:s20], $0x80  }
0x3f: {  	[sflag:s20] =	ssyncset.done @!p1 $0x0  }
0x40: {  	s16 =	sadd.s32 @!p1 s16, s9;
	s17 =	simm.s32 @!p1 $0x80;
	[sflag:s20] =	ssyncadd.s32 @!p1 $0xFFFFFF80  }
0x41: {  	[tilespmem:s17], [sflag:$0x3] =	stream.linear.gather @!p1 [hbm4b:s16+s18], $0x80, $0x38;
	[tilespmem:$0x17980] =	vst v63  }
0x42: {  	_ =	swait.ge @!p1 [sflag:s20], $0x80  }
0x43: {  	[sflag:s20] =	ssyncset.done @!p1 $0x0  }
0x44: {  	s19 =	simm.s32 @!p1 $0x1;
	s16 =	simm.s32 @!p1 $0x100;
	[sflag:s20] =	ssyncadd.s32 @!p1 $0xFFFFFF80  }
0x45: {  	[tilespmem:s16], [sflag:$0x1] =	stream.indirect.gather @!p1 [hbm4b:s4+s17], $0x80, s18, s17, $0xb8;
	[tilespmem:$0x17980] =	vst v63  }
0x46: {  	_ =	swait.ge @!p1 [sflag:s19], $0x4000  }
0x47: {  	[sflag:s19] =	ssyncset.done @!p1 $0x0  }
0x48: {  	s18 =	simm.s32 @!p1 $0x2;
	[sflag:s19] =	ssyncadd.s32 @!p1 $0xFFFFC000  }
0x49: {  	[spmem:s1] =	stream.indirect.scatter.add.f32 @!p1 [tilespmem:s16], [sflag:$0x2], $0x80, s17, s17, $0xb8;
	[tilespmem:$0x17980] =	vst v63  }
0x4a: {  	_ =	swait.ge @!p1 [sflag:s18], $0x4000  }
0x4b: {  	[sflag:s18] =	ssyncset.done @!p1 $0x0  }
0x4c: {  	[sflag:s18] =	ssyncadd.s32 @!p1 $0xFFFFC000  }
0x4d: {  	s16 =	simm.s32 @p0 $0x1FC2;
	[bflag:$0x0] =	sbarrier.arrive $0xFFFF  }
0x4e: {  	[hbm:s14], [sflag:s16] =	dma.local @p0 [spmem:s11], $0x2800  }
0x4f: {  	s16 =	simm.s32 @p0 $0x2  }
0x50: {  	s3 =	sadd.s32 $0x1, s3;
	_ =	swait.ge @p0 [sflag:s16], $0x2800  }
0x51: {  	p1 =	sne.s32 s3, s8;
	[sflag:s16] =	ssyncset.done @p0 $0x0  }
.Ltmp1:
0x52: {  	[sflag:s16] =	ssyncadd.s32 @p0 $0xFFFFD800;
	s16 =	simm.s32 @!p0 $0x2;
	(pc) =	sbr.rel @p1 .LBB2_1-.Ltmp1, $4  }
0x53: {  	[hbm:s15], [sflag:s12] =	dma.local @!p0 [spmem:s13], $0x2700  }
0x54: {  	_ =	swait.ge @!p0 [sflag:s16], $0x2700  }
0x55: {  	[sflag:s16] =	ssyncset.done @!p0 $0x0  }
0x56: {  	[sflag:s16] =	ssyncadd.s32 @!p0 $0xFFFFD900  }
0x57: {  	_ =	sfence.sel $0x180000  }
0x58: {  	[bflag:$0x0] =	sbarrier.arrive $0xFFFF  }
0x59: {  	p0 =	sne.s32 s2, $0x0;
	_ =	strace $0x90000047  }
0x5a: {  	s0 =	sadd.s32 @!p0 $0x100000, s0;
	[bflag:$0x2] =	sbarrier.arrive $0xFFFF  }
0x5b: {  	[sflag:s0] =	ssyncadd.tile.s32 @!p0 $0x1;
	_ =	shalt  }
.Lfunc_end2:
_tile_overlayer_lowered:
.L_overlay_start_2:
0x5c: {  	(tag) =	ssettag $0x2  }
0x5d: {  	s0 =	rddreg [dreg:$0x0];
	s2 =	stileid.u32  }
0x5e: {  	s1 =	rddreg [dreg:$0x1];
	p0 =	sne.s32 s2, $0x0  }
0x5f: {  	s3 =	rddreg [dreg:$0x2];
	[bflag:$0x3] =	sbarrier.arrive $0xFFFF;
	s2 =	simm.s32 @!p0 $0x1C02  }
0x60: {  	[timem:s3], [sflag:s2] =	dma.local @!p0 [hbm:s0], s1  }
0x61: {  	s0 =	simm.s32 @!p0 $0x2  }
0x62: {  	_ =	swait.ge @!p0 [sflag:s0], s1  }
0x63: {  	s1 =	ssub.s32 @!p0 $0x0, s1;
	[sflag:s0] =	ssyncset.done @!p0 $0x0  }
0x64: {  	[sflag:s0] =	ssyncadd.s32 @!p0 s1  }
0x65: {  	[bflag:$0x3] =	sbarrier.arrive $0xFFFF  }
0x66: {  	_ =	shalt  }

</sc_bundles>
